<compile_context>
chip_gen: v7x
topology: tpu7x:2x2x1
jax: 0.10.2.dev20260603
libtpu: 0.0.44.dev20260713+nightly
codegen_flags: <defaults>
</compile_context>

<pallas_src>
import functools

import jax
import jax.numpy as jnp
from jax import lax
from jax.experimental import pallas as pl
from jax.experimental.pallas import tpu as pltpu
from jax.experimental.pallas import tpu_sc as plsc

N = 10000
E = 320000
D = 128

NC = 2
NS = 16
NW = NC * NS

CHUNK = 128
CPW = -(-E // (NW * CHUNK))
EPW = CPW * CHUNK
E_PAD = EPW * NW
N_PAD = 10240
ROWS_PT = N_PAD // NS

_mesh = plsc.VectorSubcoreMesh(core_axis_name="c", subcore_axis_name="s")


@functools.partial(
    pl.kernel,
    out_type=(
        jax.ShapeDtypeStruct((NC * N_PAD, D), jnp.float32),
        jax.ShapeDtypeStruct((NW * N_PAD,), jnp.float32),
    ),
    mesh=_mesh,
    scratch_types=(
        pltpu.VMEM_SHARED((N_PAD, D), jnp.float32),
        pltpu.VMEM((CHUNK,), jnp.int32),
        pltpu.VMEM((CHUNK,), jnp.int32),
        pltpu.VMEM((CHUNK, D), jnp.float32),
        pltpu.VMEM((N_PAD,), jnp.float32),
        pltpu.SemaphoreType.DMA,
    ),
    compiler_params=pltpu.CompilerParams(needs_layout_passes=False),
)
def _sc_aggregate(src_hbm, dst_hbm, x_hbm, sum_hbm, deg_hbm,
                  acc, sidx, didx, rows, degv, gsem):
    cid = lax.axis_index("c")
    sid = lax.axis_index("s")
    wid = cid * NS + sid

    zeros16 = jnp.zeros((16,), jnp.float32)

    def _zrows(i, carry):
        r = i // (D // 16)
        c = i % (D // 16)
        rows[r, pl.ds(c * 16, 16)] = zeros16
        return carry
    lax.fori_loop(0, CHUNK * (D // 16), _zrows, 0)
    for k in range(ROWS_PT // CHUNK):
        pltpu.sync_copy(rows, acc.at[pl.ds(sid * ROWS_PT + k * CHUNK, CHUNK)])

    def _zdeg(i, carry):
        degv[pl.ds(i * 16, 16)] = zeros16
        return carry
    lax.fori_loop(0, N_PAD // 16, _zdeg, 0)

    plsc.subcore_barrier()

    ones16 = jnp.ones((16,), jnp.float32)

    def _chunk(c, carry):
        off = wid * EPW + c * CHUNK
        pltpu.sync_copy(src_hbm.at[pl.ds(off, CHUNK)], sidx)
        pltpu.sync_copy(dst_hbm.at[pl.ds(off, CHUNK)], didx)
        pltpu.async_copy(x_hbm.at[sidx], rows, gsem).wait()
        pltpu.sync_copy(rows, acc.at[didx], add=True)
        for j in range(CHUNK // 16):
            dvec = didx[pl.ds(j * 16, 16)]
            plsc.addupdate_scatter(degv, [dvec], ones16)
        return carry

    lax.fori_loop(0, CPW, _chunk, 0)

    plsc.subcore_barrier()

    r0 = sid * ROWS_PT
    pltpu.sync_copy(acc.at[pl.ds(r0, ROWS_PT)],
                    sum_hbm.at[pl.ds(cid * N_PAD + r0, ROWS_PT)])
    pltpu.sync_copy(degv, deg_hbm.at[pl.ds(wid * N_PAD, N_PAD)])


BN = 1024


def _tc_body(x_ref, s_ref, dg_ref, wc_ref, bc_ref, wg_ref, bg_ref, o_ref):
    xb = x_ref[...]
    agg = s_ref[0] + s_ref[1]
    deg = jnp.maximum(jnp.sum(dg_ref[...], axis=0), 1.0)
    agg = agg / deg[:, None]
    conv = jnp.dot(agg, wc_ref[...], preferred_element_type=jnp.float32) + bc_ref[...]
    gate = jax.nn.sigmoid(
        jnp.dot(xb, wg_ref[...], preferred_element_type=jnp.float32) + bg_ref[...])
    o_ref[...] = gate * conv + xb - gate * xb


def _tc_gate(x, sums, degs, W_conv, b_conv, W_gate, b_gate):
    return pl.pallas_call(
        _tc_body,
        out_shape=jax.ShapeDtypeStruct((N_PAD, D), jnp.float32),
        grid=(N_PAD // BN,),
        in_specs=[
            pl.BlockSpec((BN, D), lambda i: (i, 0)),
            pl.BlockSpec((NC, BN, D), lambda i: (0, i, 0)),
            pl.BlockSpec((NW, BN), lambda i: (0, i)),
            pl.BlockSpec((D, D), lambda i: (0, 0)),
            pl.BlockSpec((1, D), lambda i: (0, 0)),
            pl.BlockSpec((D, D), lambda i: (0, 0)),
            pl.BlockSpec((1, D), lambda i: (0, 0)),
        ],
        out_specs=pl.BlockSpec((BN, D), lambda i: (i, 0)),
    )(x, sums, degs, W_conv, b_conv, W_gate, b_gate)


def kernel(x, edge_index, W_conv, b_conv, W_gate, b_gate):
    src = edge_index[0]
    dst = edge_index[1]
    pad = E_PAD - E
    src_p = jnp.concatenate([src, jnp.zeros((pad,), jnp.int32)])
    dst_p = jnp.concatenate([dst, jnp.full((pad,), N, jnp.int32)])
    sums, degs = _sc_aggregate(src_p, dst_p, x)
    sums = sums.reshape(NC, N_PAD, D)
    degs = degs.reshape(NW, N_PAD)
    out = _tc_gate(x, sums, degs, W_conv, b_conv.reshape(1, D),
                   W_gate, b_gate.reshape(1, D))
    return out[:N]

# --- scband reference (transcript-rebuilt; emitter-appended) ---
"""Pipeline reference for scband-gated-gcnlayer-12051678233153 (READ-ONLY COPY).

The authoritative reference and input builder live on the scoring server;
editing this copy changes nothing except your own understanding.
"""

import jax, jax.numpy as jnp
import numpy as np

N = 10000
E = 320000
D = 128


def setup_inputs(seed: int = 0) -> dict:
    key = jax.random.key(seed)
    k1, k2, k3, k4 = jax.random.split(key, 4)
    x = jax.random.normal(k1, (N, D), dtype=jnp.float32)
    edge_index = jax.random.randint(k2, (2, E), 0, N, dtype=jnp.int32)
    # Parameters: conv is modeled as a mean-aggregation GraphConv (DGL GraphConv-style)
    W_conv = jax.random.normal(k3, (D, D), dtype=jnp.float32) * 0.05
    b_conv = jnp.zeros((D,), dtype=jnp.float32)
    # gate_fc parameters
    W_gate = jax.random.normal(k4, (D, D), dtype=jnp.float32) * 0.05
    b_gate = jnp.zeros((D,), dtype=jnp.float32)
    return {"x": x, "edge_index": edge_index, "W_conv": W_conv, "b_conv": b_conv, "W_gate": W_gate, "b_gate": b_gate}


def reference(x, edge_index, W_conv, b_conv, W_gate, b_gate):
    # h_dict collapsed to a single node type; f_shift=[0, N] so get_tensor(h_dict)=x.
    src = edge_index[0]
    dst = edge_index[1]
    # conv(g, h_dict): message = x[src]; mean-aggregate at dst; then linear transform.
    msgs = jnp.take(x, src, axis=0)                                   # gather  [E, D]
    agg = jax.ops.segment_sum(msgs, dst, num_segments=N)              # scatter-add [N, D]
    deg = jax.ops.segment_sum(jnp.ones((E,), dtype=x.dtype), dst, num_segments=N)
    agg = agg / jnp.maximum(deg, 1.0)[:, None]
    agg_h = agg @ W_conv + b_conv
    # gated residual combination
    gate = jax.nn.sigmoid(x @ W_gate + b_gate)
    gated_h = gate * agg_h + (1.0 - gate) * x
    return gated_h

if __name__ == "__main__":
    import jax
    _d = setup_inputs()
    print(jax.jit(kernel)(*tuple(_d.values())))

</pallas_src>

<mosaic_0001>
#map = affine_map<(d0, d1) -> (0)>
#map1 = affine_map<(d0, d1) -> (0, 0)>
module attributes {stable_mosaic.version = 14 : i64} {
  func.func @_sc_aggregate(%arg0: i32, %arg1: i32, %arg2: memref<323584xi32, #tpu.memory_space<hbm>>, %arg3: memref<323584xi32, #tpu.memory_space<hbm>>, %arg4: memref<10000x128xf32, #tpu.memory_space<hbm>>, %arg5: memref<20480x128xf32, #tpu.memory_space<hbm>>, %arg6: memref<327680xf32, #tpu.memory_space<hbm>>, %arg7: memref<10240x128xf32, #tpu.memory_space<vmem_shared>>, %arg8: memref<128xi32, #tpu.memory_space<vmem>>, %arg9: memref<128xi32, #tpu.memory_space<vmem>>, %arg10: memref<128x128xf32, #tpu.memory_space<vmem>>, %arg11: memref<10240xf32, #tpu.memory_space<vmem>>, %arg12: memref<!tpu.dma_semaphore, #tpu.memory_space<semaphore_mem>>) attributes {dimension_semantics = [#tpu.dimension_semantics<core_parallel>, #tpu.dimension_semantics<subcore_parallel>], iteration_bounds = array<i64: 2, 16>, scalar_prefetch = 0 : i64, scratch_operands = 6 : i64, tpu.core_type = #tpu.core_type<sc_vector_subcore>, window_params = [{transform_indices = #map}, {transform_indices = #map}, {transform_indices = #map1}, {transform_indices = #map1}, {transform_indices = #map}]} {
    %mul3A = arith.constant 16 : i32
    %mul3A_0 = arith.muli %arg0, %mul3A : i32
    %add3A = arith.addi %mul3A_0, %arg1 : i32
    %broadcast_in_dim3A = arith.constant 0.000000e+00 : f32
    %broadcast_in_dim3A_1 = vector.broadcast %broadcast_in_dim3A : f32 to vector<16xf32>
    %scan3A = arith.constant 0 : i32
    %scan3A_2 = arith.constant 0 : i32
    %scan3A_3 = arith.constant 1024 : i32
    %scan3A_4 = arith.addi %scan3A_2, %scan3A_3 : i32
    %scan3A_5 = arith.constant 1 : i32
    scf.for %scan3A_49 = %scan3A_2 to %scan3A_4 step %scan3A_5  : i32 {
      %jit3A = arith.constant 8 : i32
      %div3A = arith.divsi %scan3A_49, %jit3A : i32
      %sign3A = arith.constant 0 : i32
      %sign3A_50 = arith.cmpi sgt, %scan3A_49, %sign3A : i32
      %sign3A_51 = arith.extui %sign3A_50 : i1 to i32
      %sign3A_52 = arith.constant 0 : i32
      %sign3A_53 = arith.cmpi slt, %scan3A_49, %sign3A_52 : i32
      %sign3A_54 = arith.extui %sign3A_53 : i1 to i32
      %sign3A_55 = arith.subi %sign3A_51, %sign3A_54 : i32
      %sign3A_56 = arith.constant 0 : i32
      %sign3A_57 = arith.cmpi sgt, %jit3A, %sign3A_56 : i32
      %sign3A_58 = arith.extui %sign3A_57 : i1 to i32
      %sign3A_59 = arith.constant 0 : i32
      %sign3A_60 = arith.cmpi slt, %jit3A, %sign3A_59 : i32
      %sign3A_61 = arith.extui %sign3A_60 : i1 to i32
      %sign3A_62 = arith.subi %sign3A_58, %sign3A_61 : i32
      %ne3A = arith.cmpi ne, %sign3A_55, %sign3A_62 : i32
      %rem3A = arith.remsi %scan3A_49, %jit3A : i32
      %ne3A_63 = arith.constant 0 : i32
      %ne3A_64 = arith.cmpi ne, %rem3A, %ne3A_63 : i32
      %and3A = arith.andi %ne3A, %ne3A_64 : i1
      %sub3A = arith.constant 1 : i32
      %sub3A_65 = arith.subi %div3A, %sub3A : i32
      %select_n3A = arith.select %and3A, %sub3A_65, %div3A : i32
      %jit3A_66 = arith.constant 8 : i32
      %eq3A = arith.constant 0 : i32
      %eq3A_67 = arith.cmpi eq, %jit3A_66, %eq3A : i32
      %jit3A_68 = arith.constant 1 : i32
      %select_n3A_69 = arith.select %eq3A_67, %jit3A_68, %jit3A_66 : i32
      %rem3A_70 = arith.remsi %scan3A_49, %select_n3A_69 : i32
      %ne3A_71 = arith.constant 0 : i32
      %ne3A_72 = arith.cmpi ne, %rem3A_70, %ne3A_71 : i32
      %lt3A = arith.constant 0 : i32
      %lt3A_73 = arith.cmpi slt, %rem3A_70, %lt3A : i32
      %lt3A_74 = arith.constant 0 : i32
      %lt3A_75 = arith.cmpi slt, %select_n3A_69, %lt3A_74 : i32
      %ne3A_76 = arith.xori %lt3A_73, %lt3A_75 : i1
      %and3A_77 = arith.andi %ne3A_76, %ne3A_72 : i1
      %add3A_78 = arith.addi %rem3A_70, %select_n3A_69 : i32
      %select_n3A_79 = arith.select %and3A_77, %add3A_78, %rem3A_70 : i32
      %mul3A_80 = arith.constant 16 : i32
      %mul3A_81 = arith.muli %select_n3A_79, %mul3A_80 : i32
      %swap3A = arith.index_cast %select_n3A : i32 to index
      %swap3A_82 = arith.index_cast %mul3A_81 : i32 to index
      %swap3A_83 = tpu.vector_load %arg10[%swap3A, %swap3A_82] {strides = array<i32>} : memref<128x128xf32, #tpu.memory_space<vmem>>, vector<16xf32>,
      tpu.vector_store %arg10[%swap3A, %swap3A_82], %broadcast_in_dim3A_1 {strides = array<i32>} : memref<128x128xf32, #tpu.memory_space<vmem>>, vector<16xf32>,
    }
    %scan3A_6 = arith.constant 1024 : i32
    %mul3A_7 = arith.constant 640 : i32
    %mul3A_8 = arith.muli %arg1, %mul3A_7 : i32
    %add3A_9 = arith.constant 0 : i32
    %add3A_10 = arith.addi %mul3A_8, %add3A_9 : i32
    "tpu.region"() ({
      %run_scoped3A = tpu.sem_alloc : memref<!tpu.dma_semaphore, #tpu.memory_space<semaphore_mem>>
      %dma_start3A = arith.constant 0 : i32
      %dma_start3A_49 = tpu.memref_slice %arg7[%add3A_10, %dma_start3A] : memref<10240x128xf32, #tpu.memory_space<vmem_shared>> -> memref<128x128xf32, #tpu.memory_space<vmem_shared>>
      %dma_start3A_50 = arith.constant 0 : i32
      %dma_start3A_51 = tpu.memref_slice %arg7[%add3A_10, %dma_start3A_50] : memref<10240x128xf32, #tpu.memory_space<vmem_shared>> -> memref<128x128xf32, #tpu.memory_space<vmem_shared>>
      tpu.enqueue_dma source(%arg10 : memref<128x128xf32, #tpu.memory_space<vmem>>) target(%dma_start3A_51 : memref<128x128xf32, #tpu.memory_space<vmem_shared>>) target_semaphore(%run_scoped3A : memref<!tpu.dma_semaphore, #tpu.memory_space<semaphore_mem>>)
      %dma_wait3A = arith.constant 0 : i32
      %dma_wait3A_52 = tpu.memref_slice %arg7[%add3A_10, %dma_wait3A] : memref<10240x128xf32, #tpu.memory_space<vmem_shared>> -> memref<128x128xf32, #tpu.memory_space<vmem_shared>>
      %dma_wait3A_53 = arith.constant 0 : i32
      %dma_wait3A_54 = tpu.memref_slice %arg7[%add3A_10, %dma_wait3A_53] : memref<10240x128xf32, #tpu.memory_space<vmem_shared>> -> memref<128x128xf32, #tpu.memory_space<vmem_shared>>
      tpu.wait_dma2 semaphore(%run_scoped3A : memref<!tpu.dma_semaphore, #tpu.memory_space<semaphore_mem>>) src(%arg10 : memref<128x128xf32, #tpu.memory_space<vmem>>) dst(%dma_wait3A_54 : memref<128x128xf32, #tpu.memory_space<vmem_shared>>)
      tpu.yield
    }) : () -> ()
    %mul3A_11 = arith.constant 640 : i32
    %mul3A_12 = arith.muli %arg1, %mul3A_11 : i32
    %add3A_13 = arith.constant 128 : i32
    %add3A_14 = arith.addi %mul3A_12, %add3A_13 : i32
    "tpu.region"() ({
      %run_scoped3A = tpu.sem_alloc : memref<!tpu.dma_semaphore, #tpu.memory_space<semaphore_mem>>
      %dma_start3A = arith.constant 0 : i32
      %dma_start3A_49 = tpu.memref_slice %arg7[%add3A_14, %dma_start3A] : memref<10240x128xf32, #tpu.memory_space<vmem_shared>> -> memref<128x128xf32, #tpu.memory_space<vmem_shared>>
      %dma_start3A_50 = arith.constant 0 : i32
      %dma_start3A_51 = tpu.memref_slice %arg7[%add3A_14, %dma_start3A_50] : memref<10240x128xf32, #tpu.memory_space<vmem_shared>> -> memref<128x128xf32, #tpu.memory_space<vmem_shared>>
      tpu.enqueue_dma source(%arg10 : memref<128x128xf32, #tpu.memory_space<vmem>>) target(%dma_start3A_51 : memref<128x128xf32, #tpu.memory_space<vmem_shared>>) target_semaphore(%run_scoped3A : memref<!tpu.dma_semaphore, #tpu.memory_space<semaphore_mem>>)
      %dma_wait3A = arith.constant 0 : i32
      %dma_wait3A_52 = tpu.memref_slice %arg7[%add3A_14, %dma_wait3A] : memref<10240x128xf32, #tpu.memory_space<vmem_shared>> -> memref<128x128xf32, #tpu.memory_space<vmem_shared>>
      %dma_wait3A_53 = arith.constant 0 : i32
      %dma_wait3A_54 = tpu.memref_slice %arg7[%add3A_14, %dma_wait3A_53] : memref<10240x128xf32, #tpu.memory_space<vmem_shared>> -> memref<128x128xf32, #tpu.memory_space<vmem_shared>>
      tpu.wait_dma2 semaphore(%run_scoped3A : memref<!tpu.dma_semaphore, #tpu.memory_space<semaphore_mem>>) src(%arg10 : memref<128x128xf32, #tpu.memory_space<vmem>>) dst(%dma_wait3A_54 : memref<128x128xf32, #tpu.memory_space<vmem_shared>>)
      tpu.yield
    }) : () -> ()
    %mul3A_15 = arith.constant 640 : i32
    %mul3A_16 = arith.muli %arg1, %mul3A_15 : i32
    %add3A_17 = arith.constant 256 : i32
    %add3A_18 = arith.addi %mul3A_16, %add3A_17 : i32
    "tpu.region"() ({
      %run_scoped3A = tpu.sem_alloc : memref<!tpu.dma_semaphore, #tpu.memory_space<semaphore_mem>>
      %dma_start3A = arith.constant 0 : i32
      %dma_start3A_49 = tpu.memref_slice %arg7[%add3A_18, %dma_start3A] : memref<10240x128xf32, #tpu.memory_space<vmem_shared>> -> memref<128x128xf32, #tpu.memory_space<vmem_shared>>
      %dma_start3A_50 = arith.constant 0 : i32
      %dma_start3A_51 = tpu.memref_slice %arg7[%add3A_18, %dma_start3A_50] : memref<10240x128xf32, #tpu.memory_space<vmem_shared>> -> memref<128x128xf32, #tpu.memory_space<vmem_shared>>
      tpu.enqueue_dma source(%arg10 : memref<128x128xf32, #tpu.memory_space<vmem>>) target(%dma_start3A_51 : memref<128x128xf32, #tpu.memory_space<vmem_shared>>) target_semaphore(%run_scoped3A : memref<!tpu.dma_semaphore, #tpu.memory_space<semaphore_mem>>)
      %dma_wait3A = arith.constant 0 : i32
      %dma_wait3A_52 = tpu.memref_slice %arg7[%add3A_18, %dma_wait3A] : memref<10240x128xf32, #tpu.memory_space<vmem_shared>> -> memref<128x128xf32, #tpu.memory_space<vmem_shared>>
      %dma_wait3A_53 = arith.constant 0 : i32
      %dma_wait3A_54 = tpu.memref_slice %arg7[%add3A_18, %dma_wait3A_53] : memref<10240x128xf32, #tpu.memory_space<vmem_shared>> -> memref<128x128xf32, #tpu.memory_space<vmem_shared>>
      tpu.wait_dma2 semaphore(%run_scoped3A : memref<!tpu.dma_semaphore, #tpu.memory_space<semaphore_mem>>) src(%arg10 : memref<128x128xf32, #tpu.memory_space<vmem>>) dst(%dma_wait3A_54 : memref<128x128xf32, #tpu.memory_space<vmem_shared>>)
      tpu.yield
    }) : () -> ()
    %mul3A_19 = arith.constant 640 : i32
    %mul3A_20 = arith.muli %arg1, %mul3A_19 : i32
    %add3A_21 = arith.constant 384 : i32
    %add3A_22 = arith.addi %mul3A_20, %add3A_21 : i32
    "tpu.region"() ({
      %run_scoped3A = tpu.sem_alloc : memref<!tpu.dma_semaphore, #tpu.memory_space<semaphore_mem>>
      %dma_start3A = arith.constant 0 : i32
      %dma_start3A_49 = tpu.memref_slice %arg7[%add3A_22, %dma_start3A] : memref<10240x128xf32, #tpu.memory_space<vmem_shared>> -> memref<128x128xf32, #tpu.memory_space<vmem_shared>>
      %dma_start3A_50 = arith.constant 0 : i32
      %dma_start3A_51 = tpu.memref_slice %arg7[%add3A_22, %dma_start3A_50] : memref<10240x128xf32, #tpu.memory_space<vmem_shared>> -> memref<128x128xf32, #tpu.memory_space<vmem_shared>>
      tpu.enqueue_dma source(%arg10 : memref<128x128xf32, #tpu.memory_space<vmem>>) target(%dma_start3A_51 : memref<128x128xf32, #tpu.memory_space<vmem_shared>>) target_semaphore(%run_scoped3A : memref<!tpu.dma_semaphore, #tpu.memory_space<semaphore_mem>>)
      %dma_wait3A = arith.constant 0 : i32
      %dma_wait3A_52 = tpu.memref_slice %arg7[%add3A_22, %dma_wait3A] : memref<10240x128xf32, #tpu.memory_space<vmem_shared>> -> memref<128x128xf32, #tpu.memory_space<vmem_shared>>
      %dma_wait3A_53 = arith.constant 0 : i32
      %dma_wait3A_54 = tpu.memref_slice %arg7[%add3A_22, %dma_wait3A_53] : memref<10240x128xf32, #tpu.memory_space<vmem_shared>> -> memref<128x128xf32, #tpu.memory_space<vmem_shared>>
      tpu.wait_dma2 semaphore(%run_scoped3A : memref<!tpu.dma_semaphore, #tpu.memory_space<semaphore_mem>>) src(%arg10 : memref<128x128xf32, #tpu.memory_space<vmem>>) dst(%dma_wait3A_54 : memref<128x128xf32, #tpu.memory_space<vmem_shared>>)
      tpu.yield
    }) : () -> ()
    %mul3A_23 = arith.constant 640 : i32
    %mul3A_24 = arith.muli %arg1, %mul3A_23 : i32
    %add3A_25 = arith.constant 512 : i32
    %add3A_26 = arith.addi %mul3A_24, %add3A_25 : i32
    "tpu.region"() ({
      %run_scoped3A = tpu.sem_alloc : memref<!tpu.dma_semaphore, #tpu.memory_space<semaphore_mem>>
      %dma_start3A = arith.constant 0 : i32
      %dma_start3A_49 = tpu.memref_slice %arg7[%add3A_26, %dma_start3A] : memref<10240x128xf32, #tpu.memory_space<vmem_shared>> -> memref<128x128xf32, #tpu.memory_space<vmem_shared>>
      %dma_start3A_50 = arith.constant 0 : i32
      %dma_start3A_51 = tpu.memref_slice %arg7[%add3A_26, %dma_start3A_50] : memref<10240x128xf32, #tpu.memory_space<vmem_shared>> -> memref<128x128xf32, #tpu.memory_space<vmem_shared>>
      tpu.enqueue_dma source(%arg10 : memref<128x128xf32, #tpu.memory_space<vmem>>) target(%dma_start3A_51 : memref<128x128xf32, #tpu.memory_space<vmem_shared>>) target_semaphore(%run_scoped3A : memref<!tpu.dma_semaphore, #tpu.memory_space<semaphore_mem>>)
      %dma_wait3A = arith.constant 0 : i32
      %dma_wait3A_52 = tpu.memref_slice %arg7[%add3A_26, %dma_wait3A] : memref<10240x128xf32, #tpu.memory_space<vmem_shared>> -> memref<128x128xf32, #tpu.memory_space<vmem_shared>>
      %dma_wait3A_53 = arith.constant 0 : i32
      %dma_wait3A_54 = tpu.memref_slice %arg7[%add3A_26, %dma_wait3A_53] : memref<10240x128xf32, #tpu.memory_space<vmem_shared>> -> memref<128x128xf32, #tpu.memory_space<vmem_shared>>
      tpu.wait_dma2 semaphore(%run_scoped3A : memref<!tpu.dma_semaphore, #tpu.memory_space<semaphore_mem>>) src(%arg10 : memref<128x128xf32, #tpu.memory_space<vmem>>) dst(%dma_wait3A_54 : memref<128x128xf32, #tpu.memory_space<vmem_shared>>)
      tpu.yield
    }) : () -> ()
    %scan3A_27 = arith.constant 0 : i32
    %scan3A_28 = arith.constant 0 : i32
    %scan3A_29 = arith.constant 640 : i32
    %scan3A_30 = arith.addi %scan3A_28, %scan3A_29 : i32
    %scan3A_31 = arith.constant 1 : i32
    scf.for %scan3A_49 = %scan3A_28 to %scan3A_30 step %scan3A_31  : i32 {
      %mul3A_50 = arith.constant 16 : i32
      %mul3A_51 = arith.muli %scan3A_49, %mul3A_50 : i32
      %swap3A = arith.index_cast %mul3A_51 : i32 to index
      %swap3A_52 = tpu.vector_load %arg11[%swap3A] {strides = array<i32>} : memref<10240xf32, #tpu.memory_space<vmem>>, vector<16xf32>,
      tpu.vector_store %arg11[%swap3A], %broadcast_in_dim3A_1 {strides = array<i32>} : memref<10240xf32, #tpu.memory_space<vmem>>, vector<16xf32>,
    }
    %scan3A_32 = arith.constant 640 : i32
    %barrier3A = arith.constant 0 : index
    tpu.barrier barrier_id(%barrier3A)
    %broadcast_in_dim3A_33 = arith.constant 1.000000e+00 : f32
    %broadcast_in_dim3A_34 = vector.broadcast %broadcast_in_dim3A_33 : f32 to vector<16xf32>
    %scan3A_35 = arith.constant 0 : i32
    %scan3A_36 = arith.constant 0 : i32
    %scan3A_37 = arith.constant 79 : i32
    %scan3A_38 = arith.addi %scan3A_36, %scan3A_37 : i32
    %scan3A_39 = arith.constant 1 : i32
    scf.for %scan3A_49 = %scan3A_36 to %scan3A_38 step %scan3A_39  : i32 {
      %mul3A_50 = arith.constant 10112 : i32
      %mul3A_51 = arith.muli %add3A, %mul3A_50 : i32
      %mul3A_52 = arith.constant 128 : i32
      %mul3A_53 = arith.muli %scan3A_49, %mul3A_52 : i32
      %add3A_54 = arith.addi %mul3A_51, %mul3A_53 : i32
      "tpu.region"() ({
        %run_scoped3A = tpu.sem_alloc : memref<!tpu.dma_semaphore, #tpu.memory_space<semaphore_mem>>
        %dma_start3A_74 = tpu.memref_slice %arg2[%add3A_54] : memref<323584xi32, #tpu.memory_space<hbm>> -> memref<128xi32, #tpu.memory_space<hbm>>
        %dma_start3A_75 = tpu.memref_slice %arg2[%add3A_54] : memref<323584xi32, #tpu.memory_space<hbm>> -> memref<128xi32, #tpu.memory_space<hbm>>
        tpu.enqueue_dma source(%dma_start3A_75 : memref<128xi32, #tpu.memory_space<hbm>>) target(%arg8 : memref<128xi32, #tpu.memory_space<vmem>>) target_semaphore(%run_scoped3A : memref<!tpu.dma_semaphore, #tpu.memory_space<semaphore_mem>>)
        %dma_wait3A_76 = tpu.memref_slice %arg2[%add3A_54] : memref<323584xi32, #tpu.memory_space<hbm>> -> memref<128xi32, #tpu.memory_space<hbm>>
        %dma_wait3A_77 = tpu.memref_slice %arg2[%add3A_54] : memref<323584xi32, #tpu.memory_space<hbm>> -> memref<128xi32, #tpu.memory_space<hbm>>
        tpu.wait_dma2 semaphore(%run_scoped3A : memref<!tpu.dma_semaphore, #tpu.memory_space<semaphore_mem>>) src(%dma_wait3A_77 : memref<128xi32, #tpu.memory_space<hbm>>) dst(%arg8 : memref<128xi32, #tpu.memory_space<vmem>>)
        tpu.yield
      }) : () -> ()
      "tpu.region"() ({
        %run_scoped3A = tpu.sem_alloc : memref<!tpu.dma_semaphore, #tpu.memory_space<semaphore_mem>>
        %dma_start3A_74 = tpu.memref_slice %arg3[%add3A_54] : memref<323584xi32, #tpu.memory_space<hbm>> -> memref<128xi32, #tpu.memory_space<hbm>>
        %dma_start3A_75 = tpu.memref_slice %arg3[%add3A_54] : memref<323584xi32, #tpu.memory_space<hbm>> -> memref<128xi32, #tpu.memory_space<hbm>>
        tpu.enqueue_dma source(%dma_start3A_75 : memref<128xi32, #tpu.memory_space<hbm>>) target(%arg9 : memref<128xi32, #tpu.memory_space<vmem>>) target_semaphore(%run_scoped3A : memref<!tpu.dma_semaphore, #tpu.memory_space<semaphore_mem>>)
        %dma_wait3A_76 = tpu.memref_slice %arg3[%add3A_54] : memref<323584xi32, #tpu.memory_space<hbm>> -> memref<128xi32, #tpu.memory_space<hbm>>
        %dma_wait3A_77 = tpu.memref_slice %arg3[%add3A_54] : memref<323584xi32, #tpu.memory_space<hbm>> -> memref<128xi32, #tpu.memory_space<hbm>>
        tpu.wait_dma2 semaphore(%run_scoped3A : memref<!tpu.dma_semaphore, #tpu.memory_space<semaphore_mem>>) src(%dma_wait3A_77 : memref<128xi32, #tpu.memory_space<hbm>>) dst(%arg9 : memref<128xi32, #tpu.memory_space<vmem>>)
        tpu.yield
      }) : () -> ()
      %dma_start3A = arith.constant 0 : i32
      %dma_start3A_55 = arith.constant 0 : i32
      %dma_start3A_56 = tpu.memref_slice %arg4[%dma_start3A, %dma_start3A_55] : memref<10000x128xf32, #tpu.memory_space<hbm>> -> memref<10000x128xf32, #tpu.memory_space<hbm>>
      tpu.enqueue_indirect_dma source(%dma_start3A_56 : memref<10000x128xf32, #tpu.memory_space<hbm>>) target(%arg10 : memref<128x128xf32, #tpu.memory_space<vmem>>) offsets(%arg8 : memref<128xi32, #tpu.memory_space<vmem>>) semaphore(%arg12 : memref<!tpu.dma_semaphore, #tpu.memory_space<semaphore_mem>>)
      %dma_wait3A = arith.constant 0 : i32
      %dma_wait3A_57 = arith.constant 0 : i32
      %dma_wait3A_58 = tpu.memref_slice %arg4[%dma_wait3A, %dma_wait3A_57] : memref<10000x128xf32, #tpu.memory_space<hbm>> -> memref<10000x128xf32, #tpu.memory_space<hbm>>
      tpu.wait_indirect_dma semaphore(%arg12 : memref<!tpu.dma_semaphore, #tpu.memory_space<semaphore_mem>>) src(%dma_wait3A_58 : memref<10000x128xf32, #tpu.memory_space<hbm>>) dst(%arg10 : memref<128x128xf32, #tpu.memory_space<vmem>>)
      "tpu.region"() ({
        %run_scoped3A = tpu.sem_alloc : memref<!tpu.dma_semaphore, #tpu.memory_space<semaphore_mem>>
        %dma_start3A_74 = arith.constant 0 : i32
        %dma_start3A_75 = arith.constant 0 : i32
        %dma_start3A_76 = tpu.memref_slice %arg7[%dma_start3A_74, %dma_start3A_75] : memref<10240x128xf32, #tpu.memory_space<vmem_shared>> -> memref<10240x128xf32, #tpu.memory_space<vmem_shared>>
        tpu.enqueue_indirect_dma source(%arg10 : memref<128x128xf32, #tpu.memory_space<vmem>>) target(%dma_start3A_76 : memref<10240x128xf32, #tpu.memory_space<vmem_shared>>) offsets(%arg9 : memref<128xi32, #tpu.memory_space<vmem>>) semaphore(%run_scoped3A : memref<!tpu.dma_semaphore, #tpu.memory_space<semaphore_mem>>) {add = true}
        %dma_wait3A_77 = arith.constant 0 : i32
        %dma_wait3A_78 = arith.constant 0 : i32
        %dma_wait3A_79 = tpu.memref_slice %arg7[%dma_wait3A_77, %dma_wait3A_78] : memref<10240x128xf32, #tpu.memory_space<vmem_shared>> -> memref<10240x128xf32, #tpu.memory_space<vmem_shared>>
        tpu.wait_indirect_dma semaphore(%run_scoped3A : memref<!tpu.dma_semaphore, #tpu.memory_space<semaphore_mem>>) src(%arg10 : memref<128x128xf32, #tpu.memory_space<vmem>>) dst(%dma_wait3A_79 : memref<10240x128xf32, #tpu.memory_space<vmem_shared>>)
        tpu.yield
      }) : () -> ()
      %get3A = arith.constant 0 : index
      %get3A_59 = tpu.vector_load %arg9[%get3A] {strides = array<i32>} : memref<128xi32, #tpu.memory_space<vmem>>, vector<16xi32>,
      tpu.vector_store_idx %arg11[%get3A_59], %broadcast_in_dim3A_34 {add = true} : memref<10240xf32, #tpu.memory_space<vmem>>[vector<16xi32>], vector<16xf32>,
      %get3A_60 = arith.constant 16 : index
      %get3A_61 = tpu.vector_load %arg9[%get3A_60] {strides = array<i32>} : memref<128xi32, #tpu.memory_space<vmem>>, vector<16xi32>,
      tpu.vector_store_idx %arg11[%get3A_61], %broadcast_in_dim3A_34 {add = true} : memref<10240xf32, #tpu.memory_space<vmem>>[vector<16xi32>], vector<16xf32>,
      %get3A_62 = arith.constant 32 : index
      %get3A_63 = tpu.vector_load %arg9[%get3A_62] {strides = array<i32>} : memref<128xi32, #tpu.memory_space<vmem>>, vector<16xi32>,
      tpu.vector_store_idx %arg11[%get3A_63], %broadcast_in_dim3A_34 {add = true} : memref<10240xf32, #tpu.memory_space<vmem>>[vector<16xi32>], vector<16xf32>,
      %get3A_64 = arith.constant 48 : index
      %get3A_65 = tpu.vector_load %arg9[%get3A_64] {strides = array<i32>} : memref<128xi32, #tpu.memory_space<vmem>>, vector<16xi32>,
      tpu.vector_store_idx %arg11[%get3A_65], %broadcast_in_dim3A_34 {add = true} : memref<10240xf32, #tpu.memory_space<vmem>>[vector<16xi32>], vector<16xf32>,
      %get3A_66 = arith.constant 64 : index
      %get3A_67 = tpu.vector_load %arg9[%get3A_66] {strides = array<i32>} : memref<128xi32, #tpu.memory_space<vmem>>, vector<16xi32>,
      tpu.vector_store_idx %arg11[%get3A_67], %broadcast_in_dim3A_34 {add = true} : memref<10240xf32, #tpu.memory_space<vmem>>[vector<16xi32>], vector<16xf32>,
      %get3A_68 = arith.constant 80 : index
      %get3A_69 = tpu.vector_load %arg9[%get3A_68] {strides = array<i32>} : memref<128xi32, #tpu.memory_space<vmem>>, vector<16xi32>,
      tpu.vector_store_idx %arg11[%get3A_69], %broadcast_in_dim3A_34 {add = true} : memref<10240xf32, #tpu.memory_space<vmem>>[vector<16xi32>], vector<16xf32>,
      %get3A_70 = arith.constant 96 : index
      %get3A_71 = tpu.vector_load %arg9[%get3A_70] {strides = array<i32>} : memref<128xi32, #tpu.memory_space<vmem>>, vector<16xi32>,
      tpu.vector_store_idx %arg11[%get3A_71], %broadcast_in_dim3A_34 {add = true} : memref<10240xf32, #tpu.memory_space<vmem>>[vector<16xi32>], vector<16xf32>,
      %get3A_72 = arith.constant 112 : index
      %get3A_73 = tpu.vector_load %arg9[%get3A_72] {strides = array<i32>} : memref<128xi32, #tpu.memory_space<vmem>>, vector<16xi32>,
      tpu.vector_store_idx %arg11[%get3A_73], %broadcast_in_dim3A_34 {add = true} : memref<10240xf32, #tpu.memory_space<vmem>>[vector<16xi32>], vector<16xf32>,
    }
    %scan3A_40 = arith.constant 79 : i32
    %barrier3A_41 = arith.constant 0 : index
    tpu.barrier barrier_id(%barrier3A_41)
    %mul3A_42 = arith.constant 640 : i32
    %mul3A_43 = arith.muli %arg1, %mul3A_42 : i32
    %mul3A_44 = arith.constant 10240 : i32
    %mul3A_45 = arith.muli %arg0, %mul3A_44 : i32
    %add3A_46 = arith.addi %mul3A_45, %mul3A_43 : i32
    "tpu.region"() ({
      %run_scoped3A = tpu.sem_alloc : memref<!tpu.dma_semaphore, #tpu.memory_space<semaphore_mem>>
      %dma_start3A = arith.constant 0 : i32
      %dma_start3A_49 = tpu.memref_slice %arg5[%add3A_46, %dma_start3A] : memref<20480x128xf32, #tpu.memory_space<hbm>> -> memref<640x128xf32, #tpu.memory_space<hbm>>
      %dma_start3A_50 = arith.constant 0 : i32
      %dma_start3A_51 = tpu.memref_slice %arg7[%mul3A_43, %dma_start3A_50] : memref<10240x128xf32, #tpu.memory_space<vmem_shared>> -> memref<640x128xf32, #tpu.memory_space<vmem_shared>>
      tpu.enqueue_dma source(%dma_start3A_51 : memref<640x128xf32, #tpu.memory_space<vmem_shared>>) target(%dma_start3A_49 : memref<640x128xf32, #tpu.memory_space<hbm>>) target_semaphore(%run_scoped3A : memref<!tpu.dma_semaphore, #tpu.memory_space<semaphore_mem>>)
      %dma_wait3A = arith.constant 0 : i32
      %dma_wait3A_52 = tpu.memref_slice %arg5[%add3A_46, %dma_wait3A] : memref<20480x128xf32, #tpu.memory_space<hbm>> -> memref<640x128xf32, #tpu.memory_space<hbm>>
      %dma_wait3A_53 = arith.constant 0 : i32
      %dma_wait3A_54 = tpu.memref_slice %arg7[%mul3A_43, %dma_wait3A_53] : memref<10240x128xf32, #tpu.memory_space<vmem_shared>> -> memref<640x128xf32, #tpu.memory_space<vmem_shared>>
      tpu.wait_dma2 semaphore(%run_scoped3A : memref<!tpu.dma_semaphore, #tpu.memory_space<semaphore_mem>>) src(%dma_wait3A_54 : memref<640x128xf32, #tpu.memory_space<vmem_shared>>) dst(%dma_wait3A_52 : memref<640x128xf32, #tpu.memory_space<hbm>>)
      tpu.yield
    }) : () -> ()
    %mul3A_47 = arith.constant 10240 : i32
    %mul3A_48 = arith.muli %add3A, %mul3A_47 : i32
    "tpu.region"() ({
      %run_scoped3A = tpu.sem_alloc : memref<!tpu.dma_semaphore, #tpu.memory_space<semaphore_mem>>
      %dma_start3A = tpu.memref_slice %arg6[%mul3A_48] : memref<327680xf32, #tpu.memory_space<hbm>> -> memref<10240xf32, #tpu.memory_space<hbm>>
      %dma_start3A_49 = tpu.memref_slice %arg6[%mul3A_48] : memref<327680xf32, #tpu.memory_space<hbm>> -> memref<10240xf32, #tpu.memory_space<hbm>>
      tpu.enqueue_dma source(%arg11 : memref<10240xf32, #tpu.memory_space<vmem>>) target(%dma_start3A_49 : memref<10240xf32, #tpu.memory_space<hbm>>) target_semaphore(%run_scoped3A : memref<!tpu.dma_semaphore, #tpu.memory_space<semaphore_mem>>)
      %dma_wait3A = tpu.memref_slice %arg6[%mul3A_48] : memref<327680xf32, #tpu.memory_space<hbm>> -> memref<10240xf32, #tpu.memory_space<hbm>>
      %dma_wait3A_50 = tpu.memref_slice %arg6[%mul3A_48] : memref<327680xf32, #tpu.memory_space<hbm>> -> memref<10240xf32, #tpu.memory_space<hbm>>
      tpu.wait_dma2 semaphore(%run_scoped3A : memref<!tpu.dma_semaphore, #tpu.memory_space<semaphore_mem>>) src(%arg11 : memref<10240xf32, #tpu.memory_space<vmem>>) dst(%dma_wait3A_50 : memref<10240xf32, #tpu.memory_space<hbm>>)
      tpu.yield
    }) : () -> ()
    return
  }
}

module attributes {stable_mosaic.version = 14 : i64} {
  func.func @_tc_body(%arg0: i32, %arg1: memref<1024x128xf32, #tpu.memory_space<vmem>>, %arg2: memref<2x1024x128xf32, #tpu.memory_space<vmem>>, %arg3: memref<32x1024xf32, #tpu.memory_space<vmem>>, %arg4: memref<128x128xf32, #tpu.memory_space<vmem>>, %arg5: memref<1x128xf32, #tpu.memory_space<vmem>>, %arg6: memref<128x128xf32, #tpu.memory_space<vmem>>, %arg7: memref<1x128xf32, #tpu.memory_space<vmem>>, %arg8: memref<1024x128xf32, #tpu.memory_space<vmem>>) attributes {dimension_semantics = [#tpu.dimension_semantics<arbitrary>], iteration_bounds = array<i64: 10>, scalar_prefetch = 0 : i64, scratch_operands = 0 : i64, tpu.core_type = #tpu.core_type<tc>, window_params = [{transform_indices = @transform_0, window_bounds = array<i64: 1024, 128>}, {transform_indices = @transform_1, window_bounds = array<i64: 2, 1024, 128>}, {transform_indices = @transform_2, window_bounds = array<i64: 32, 1024>}, {pipeline_mode = #tpu.pipeline_mode<synchronous>, transform_indices = @transform_3, window_bounds = array<i64: 128, 128>}, {pipeline_mode = #tpu.pipeline_mode<synchronous>, transform_indices = @transform_4, window_bounds = array<i64: 1, 128>}, {pipeline_mode = #tpu.pipeline_mode<synchronous>, transform_indices = @transform_5, window_bounds = array<i64: 128, 128>}, {pipeline_mode = #tpu.pipeline_mode<synchronous>, transform_indices = @transform_6, window_bounds = array<i64: 1, 128>}, {transform_indices = @transform_7, window_bounds = array<i64: 1024, 128>}]} {
    %get3A = arith.constant 0 : index
    %get3A_0 = arith.constant 0 : index
    %get3A_1 = vector.load %arg1[%get3A, %get3A_0] : memref<1024x128xf32, #tpu.memory_space<vmem>>, vector<1024x128xf32>
    %get3A_2 = arith.constant 0 : index
    %get3A_3 = arith.constant 0 : index
    %get3A_4 = arith.constant 0 : index
    %get3A_5 = vector.load %arg2[%get3A_2, %get3A_3, %get3A_4] : memref<2x1024x128xf32, #tpu.memory_space<vmem>>, vector<1x1024x128xf32>
    %get3A_6 = vector.shape_cast %get3A_5 : vector<1x1024x128xf32> to vector<1024x128xf32>
    %get3A_7 = arith.constant 1 : index
    %get3A_8 = arith.constant 0 : index
    %get3A_9 = arith.constant 0 : index
    %get3A_10 = vector.load %arg2[%get3A_7, %get3A_8, %get3A_9] : memref<2x1024x128xf32, #tpu.memory_space<vmem>>, vector<1x1024x128xf32>
    %get3A_11 = vector.shape_cast %get3A_10 : vector<1x1024x128xf32> to vector<1024x128xf32>
    %add3A = arith.addf %get3A_6, %get3A_11 : vector<1024x128xf32>
    %get3A_12 = arith.constant 0 : index
    %get3A_13 = arith.constant 0 : index
    %get3A_14 = vector.load %arg3[%get3A_12, %get3A_13] : memref<32x1024xf32, #tpu.memory_space<vmem>>, vector<32x1024xf32>
    %reduce_sum3A = arith.constant dense<0.000000e+00> : vector<1024xf32>
    %reduce_sum3A_15 = vector.multi_reduction <add>, %get3A_14, %reduce_sum3A [0] : vector<32x1024xf32> to vector<1024xf32>
    %max3A = arith.constant 1.000000e+00 : f32
    %max3A_16 = vector.broadcast %max3A : f32 to vector<1024xf32>
    %max3A_17 = arith.maximumf %reduce_sum3A_15, %max3A_16 : vector<1024xf32>
    %broadcast_in_dim3A = vector.shape_cast %max3A_17 : vector<1024xf32> to vector<1024x1xf32>
    %div3A = vector.broadcast %broadcast_in_dim3A : vector<1024x1xf32> to vector<1024x128xf32>
    %div3A_18 = arith.divf %add3A, %div3A : vector<1024x128xf32>
    %get3A_19 = arith.constant 0 : index
    %get3A_20 = arith.constant 0 : index
    %get3A_21 = vector.load %arg4[%get3A_19, %get3A_20] : memref<128x128xf32, #tpu.memory_space<vmem>>, vector<128x128xf32>
    %dot_general3A = arith.constant dense<0.000000e+00> : vector<1024x128xf32>
    %dot_general3A_22 = tpu.matmul %div3A_18, %get3A_21, %dot_general3A {dimension_numbers = #tpu.dot_dimension_numbers<[1], [0], [0], [1], [0, 0, 1, 1], [], []>, transpose_lhs_hint = false} : vector<1024x128xf32>, vector<128x128xf32>, vector<1024x128xf32> -> vector<1024x128xf32>
    %get3A_23 = arith.constant 0 : index
    %get3A_24 = arith.constant 0 : index
    %get3A_25 = vector.load %arg5[%get3A_23, %get3A_24] : memref<1x128xf32, #tpu.memory_space<vmem>>, vector<1x128xf32>
    %add3A_26 = vector.broadcast %get3A_25 : vector<1x128xf32> to vector<1024x128xf32>
    %add3A_27 = arith.addf %dot_general3A_22, %add3A_26 : vector<1024x128xf32>
    %get3A_28 = arith.constant 0 : index
    %get3A_29 = arith.constant 0 : index
    %get3A_30 = vector.load %arg6[%get3A_28, %get3A_29] : memref<128x128xf32, #tpu.memory_space<vmem>>, vector<128x128xf32>
    %dot_general3A_31 = arith.constant dense<0.000000e+00> : vector<1024x128xf32>
    %dot_general3A_32 = tpu.matmul %get3A_1, %get3A_30, %dot_general3A_31 {dimension_numbers = #tpu.dot_dimension_numbers<[1], [0], [0], [1], [0, 0, 1, 1], [], []>, transpose_lhs_hint = false} : vector<1024x128xf32>, vector<128x128xf32>, vector<1024x128xf32> -> vector<1024x128xf32>
    %get3A_33 = arith.constant 0 : index
    %get3A_34 = arith.constant 0 : index
    %get3A_35 = vector.load %arg7[%get3A_33, %get3A_34] : memref<1x128xf32, #tpu.memory_space<vmem>>, vector<1x128xf32>
    %add3A_36 = vector.broadcast %get3A_35 : vector<1x128xf32> to vector<1024x128xf32>
    %add3A_37 = arith.addf %dot_general3A_32, %add3A_36 : vector<1024x128xf32>
    %logistic3A = arith.negf %add3A_37 : vector<1024x128xf32>
    %logistic3A_38 = math.exp %logistic3A : vector<1024x128xf32>
    %logistic3A_39 = arith.constant 1.000000e+00 : f32
    %logistic3A_40 = vector.broadcast %logistic3A_39 : f32 to vector<1024x128xf32>
    %logistic3A_41 = arith.addf %logistic3A_40, %logistic3A_38 : vector<1024x128xf32>
    %logistic3A_42 = arith.divf %logistic3A_40, %logistic3A_41 : vector<1024x128xf32>
    %mul3A = arith.mulf %logistic3A_42, %add3A_27 : vector<1024x128xf32>
    %add3A_43 = arith.addf %mul3A, %get3A_1 : vector<1024x128xf32>
    %mul3A_44 = arith.mulf %logistic3A_42, %get3A_1 : vector<1024x128xf32>
    %sub3A = arith.subf %add3A_43, %mul3A_44 : vector<1024x128xf32>
    %swap3A = arith.constant 0 : index
    %swap3A_45 = arith.constant 0 : index
    %swap3A_46 = vector.load %arg8[%swap3A, %swap3A_45] : memref<1024x128xf32, #tpu.memory_space<vmem>>, vector<1024x128xf32>
    tpu.vector_store %arg8[%swap3A, %swap3A_45], %sub3A {strides = array<i32>} : memref<1024x128xf32, #tpu.memory_space<vmem>>, vector<1024x128xf32>,
    return
  }
  func.func @transform_0(%arg0: i32) -> (i32, i32) {
    %c0_i32 = arith.constant 0 : i32
    %c0_i32_0 = arith.constant 0 : i32
    return %arg0, %c0_i32 : i32, i32
  }
  func.func @transform_1(%arg0: i32) -> (i32, i32, i32) {
    %c0_i32 = arith.constant 0 : i32
    %c0_i32_0 = arith.constant 0 : i32
    %c0_i32_1 = arith.constant 0 : i32
    return %c0_i32, %arg0, %c0_i32_0 : i32, i32, i32
  }
  func.func @transform_2(%arg0: i32) -> (i32, i32) {
    %c0_i32 = arith.constant 0 : i32
    %c0_i32_0 = arith.constant 0 : i32
    return %c0_i32, %arg0 : i32, i32
  }
  func.func @transform_3(%arg0: i32) -> (i32, i32) {
    %c0_i32 = arith.constant 0 : i32
    %c0_i32_0 = arith.constant 0 : i32
    %c0_i32_1 = arith.constant 0 : i32
    return %c0_i32, %c0_i32_0 : i32, i32
  }
  func.func @transform_4(%arg0: i32) -> (i32, i32) {
    %c0_i32 = arith.constant 0 : i32
    %c0_i32_0 = arith.constant 0 : i32
    %c0_i32_1 = arith.constant 0 : i32
    return %c0_i32, %c0_i32_0 : i32, i32
  }
  func.func @transform_5(%arg0: i32) -> (i32, i32) {
    %c0_i32 = arith.constant 0 : i32
    %c0_i32_0 = arith.constant 0 : i32
    %c0_i32_1 = arith.constant 0 : i32
    return %c0_i32, %c0_i32_0 : i32, i32
  }
  func.func @transform_6(%arg0: i32) -> (i32, i32) {
    %c0_i32 = arith.constant 0 : i32
    %c0_i32_0 = arith.constant 0 : i32
    %c0_i32_1 = arith.constant 0 : i32
    return %c0_i32, %c0_i32_0 : i32, i32
  }
  func.func @transform_7(%arg0: i32) -> (i32, i32) {
    %c0_i32 = arith.constant 0 : i32
    %c0_i32_0 = arith.constant 0 : i32
    return %arg0, %c0_i32 : i32, i32
  }
}

</mosaic_0001>

<sc_bundles>
// kernel: kernel.4.cloned.1.call-start
scs
__scs_entry_jumppad:
0x0: {  	(pc) =	sbr.rel $0x88, $3  }
0x1: {  	(tag) =	ssettag $0x0;
	lr =	simm.s32 $0x1  }
0x2: {  	[smem:$0x3F9B] =	sst lr;
	_ =	strace $0xD0000000  }
0x3: {  	_ = 	snop  }
0x4: {  	_ = 	snop  }
0x5: {  	_ = 	snop  }
0x6: {  	_ = 	snop  }
0x7: {  	_ = 	snop  }
__scs_overlays_trampoline_lowered:
0x8: {  	[smem:$0x3FAA] =	sst s0  }
0x9: {  	[smem:$0x3FAB] =	sst s1  }
0xa: {  	[smem:$0x3FAC] =	sst s2  }
0xb: {  	[smem:$0x3FAD] =	sst s3  }
0xc: {  	[smem:$0x3FAE] =	sst s4  }
0xd: {  	[smem:$0x3FAF] =	sst s5  }
0xe: {  	[smem:$0x3FB0] =	sst s6  }
0xf: {  	[smem:$0x3FB1] =	sst s7  }
0x10: {  	[smem:$0x3FB2] =	sst s8  }
0x11: {  	[smem:$0x3FB3] =	sst s9;
	s0 =	simm.s32 @!p0 $0x0  }
0x12: {  	s1 =	sld [smem:$0x3F99];
	s0 =	simm.s32 @p0 $0x1  }
0x13: {  	[smem:$0x3FB4] =	sst s0;
	s0 =	simm.s32 @!p1 $0x0  }
0x14: {  	s2 =	sld [smem:$0x3F98];
	s0 =	simm.s32 @p1 $0x1  }
0x15: {  	[smem:$0x3FB5] =	sst s0;
	s0 =	simm.s32 @!p2 $0x0  }
0x16: {  	s3 =	sld [smem:$0x3FDB];
	s0 =	simm.s32 @p2 $0x1  }
0x17: {  	s4 =	simm.s32 $0x1BF5;
	[smem:$0x3FB7] =	sst s0  }
0x18: {  	s0 =	sld [smem:$0x3F9A];
	_ =	swait.ge [sflag:s4], $0x0  }
0x19: {  	s7 =	sld [smem:$0x3F9B]  }
0x1a: {  	s8 =	sadd.s32 $0xFFFFE003, lr  }
0x1b: {  	s9 =	sadd.s32 $0xFFFFFEF7, lr;
	s5 =	simm.s32 $0xFFFFFFFF;
	p2 =	slt.u32 s8, $0xFFFFF086  }
0x1c: {  	p1 =	slt.u32 s9, $0xF7A;
	s5 =	simm.s32 @!p2 $0x0  }
0x1d: {  	s5 =	simm.s32 @p1 $0x1;
	p0 =	seq.s32 s7, s2  }
0x1e: {  	s7 =	smul.u32 @!p0 $0xF7A, s2;
	p2 =	seq.s32 @!p0 s5, $0x0  }
0x1f: {  	s9 =	smul.u32 $0xF7A, s1;
	s8 =	simm.s32 @!p0 $0x1BF5;
	p2 =	por !p2, p0  }
0x20: {  	[sflag:s8] =	ssyncset.s32 @!p0 $0xFFFFF086;
	s6 =	sadd.s32 @!p0 s3, s7;
	s7 =	simm.s32 @!p0 $0x108  }
0x21: {  	s3 =	sadd.s32 s3, s9;
	s6 =	sadd.s32 @!p0 $0x88, s6;
	s7 =	simm.s32 @p2 $0x1082  }
0x22: {  	[simem:s7], [sflag:s8] =	dma.local @!p0 [hbm:s6], $0xF7A  }
0x23: {  	s9 =	sor.u32 $0xD0000000, s2;
	s6 =	simm.s32 $0x108;
	_ =	swait.ge @!p0 [sflag:s8], $0x0  }
0x24: {  	s3 =	sadd.s32 $0x88, s3;
	s6 =	simm.s32 @!p1 $0x1082;
	[sflag:s4] =	ssyncset.s32 $0xFFFFF086  }
0x25: {  	[simem:s6], [sflag:s4] =	dma.local [hbm:s3], $0xF7A  }
0x26: {  	[smem:$0x3F9B] =	sst s1;
	(tag) =	ssettag s2;
	_ =	strace s9  }
0x27: {  	s1 =	sld [smem:$0x3FAB]  }
0x28: {  	s2 =	sld [smem:$0x3FAC]  }
0x29: {  	s4 =	sld [smem:$0x3FAE]  }
0x2a: {  	p0 =	seq.s32 s5, $0x0;
	s5 =	sld [smem:$0x3FAF]  }
0x2b: {  	s6 =	sld [smem:$0x3FB0]  }
0x2c: {  	s7 =	sld [smem:$0x3FB1]  }
0x2d: {  	s3 =	simm.s32 $0x108;
	s8 =	sld [smem:$0x3FB2]  }
0x2e: {  	s3 =	simm.s32 @!p0 $0x1082;
	s9 =	sld [smem:$0x3FB3]  }
0x2f: {  	lr =	sadd.s32 s0, s3;
	s0 =	sld [smem:$0x3FAA]  }
0x30: {  	s3 =	sld [smem:$0x3FAD]  }
0x31: {  	[smem:$0x3FB6] =	sst s10  }
0x32: {  	s10 =	sld [smem:$0x3FB4];
	_ =	sdelay $0x3  }
0x33: {  	p0 =	seq.s32 s10, $0x1;
	s10 =	sld [smem:$0x3FB6];
	_ =	sdelay $0x3  }
0x34: {  	[smem:$0x3FB6] =	sst s10  }
0x35: {  	s10 =	sld [smem:$0x3FB5];
	_ =	sdelay $0x3  }
0x36: {  	p1 =	seq.s32 s10, $0x1;
	s10 =	sld [smem:$0x3FB6];
	_ =	sdelay $0x3  }
0x37: {  	[smem:$0x3FB6] =	sst s10  }
0x38: {  	s10 =	sld [smem:$0x3FB7]  }
0x39: {  	_ = 	snop;
	(pc) =	sbr.ind lr, $3  }
0x3a: {  	_ = 	snop  }
0x3b: {  	_ = 	snop  }
0x3c: {  	p2 =	seq.s32 s10, $0x1;
	s10 =	sld [smem:$0x3FB6]  }
0x3d: {  	_ =	shalt  }
0x3e: {  	_ =	shalt  }
0x3f: {  	_ =	shalt  }
0x40: {  	_ =	shalt  }
0x41: {  	_ =	shalt  }
0x42: {  	_ =	shalt  }
0x43: {  	_ =	shalt  }
0x44: {  	_ =	shalt  }
0x45: {  	_ =	shalt  }
0x46: {  	_ =	shalt  }
0x47: {  	_ =	shalt  }
0x48: {  	_ =	shalt  }
0x49: {  	_ =	shalt  }
0x4a: {  	_ =	shalt  }
0x4b: {  	_ =	shalt  }
0x4c: {  	_ =	shalt  }
0x4d: {  	_ =	shalt  }
0x4e: {  	_ =	shalt  }
0x4f: {  	_ =	shalt  }
0x50: {  	_ =	shalt  }
0x51: {  	_ =	shalt  }
0x52: {  	_ =	shalt  }
0x53: {  	_ =	shalt  }
0x54: {  	_ =	shalt  }
0x55: {  	_ =	shalt  }
0x56: {  	_ =	shalt  }
0x57: {  	_ =	shalt  }
0x58: {  	_ =	shalt  }
0x59: {  	_ =	shalt  }
0x5a: {  	_ =	shalt  }
0x5b: {  	_ =	shalt  }
0x5c: {  	_ =	shalt  }
0x5d: {  	_ =	shalt  }
0x5e: {  	_ =	shalt  }
0x5f: {  	_ =	shalt  }
0x60: {  	_ =	shalt  }
0x61: {  	_ =	shalt  }
0x62: {  	_ =	shalt  }
0x63: {  	_ =	shalt  }
0x64: {  	_ =	shalt  }
0x65: {  	_ =	shalt  }
0x66: {  	_ =	shalt  }
0x67: {  	_ =	shalt  }
0x68: {  	_ =	shalt  }
0x69: {  	_ =	shalt  }
0x6a: {  	_ =	shalt  }
0x6b: {  	_ =	shalt  }
0x6c: {  	_ =	shalt  }
0x6d: {  	_ =	shalt  }
0x6e: {  	_ =	shalt  }
0x6f: {  	_ =	shalt  }
0x70: {  	_ =	shalt  }
0x71: {  	_ =	shalt  }
0x72: {  	_ =	shalt  }
0x73: {  	_ =	shalt  }
0x74: {  	_ =	shalt  }
0x75: {  	_ =	shalt  }
0x76: {  	_ =	shalt  }
0x77: {  	_ =	shalt  }
0x78: {  	_ =	shalt  }
0x79: {  	_ =	shalt  }
0x7a: {  	_ =	shalt  }
0x7b: {  	_ =	shalt  }
0x7c: {  	_ =	shalt  }
0x7d: {  	_ =	shalt  }
0x7e: {  	_ =	shalt  }
0x7f: {  	_ =	shalt  }
0x80: {  	_ =	shalt  }
0x81: {  	_ =	shalt  }
0x82: {  	_ =	shalt  }
0x83: {  	_ =	shalt  }
0x84: {  	_ =	shalt  }
0x85: {  	_ =	shalt  }
0x86: {  	_ =	shalt  }
0x87: {  	_ =	shalt  }
.Lfunc_end0:
.L_simem_size_0:
called_computation_lowered:
.L_overlay_start_0:
0x88: {  	s2 =	sld [smem:$0x3FD9]  }
0x89: {  	s3 =	sld [smem:$0x3FFE];
	_ =	sdelay $0x1  }
0x8a: {  	s1 =	srdreg.scid  }
0x8b: {  	s0 =	sand.u32 $0x1, s1  }
0x8c: {  	s17 =	sshll.u32 s0, $0xA;
	s2 =	sadd.s32 s3, s2  }
0x8d: {  	s2 =	sadd.s32 s2, s17  }
0x8e: {  	[smem:$0x3FC2] =	sst s2  }
0x8f: {  	_ = 	snop  }
0x90: {  	s2 =	sld [smem:$0x3FC9]  }
0x91: {  	s18 =	sld [smem:$0x3FD0];
	(tm) =	ssettm $0x1  }
0x92: {  	s4 =	sld [smem:$0x3FFB];
	_ =	sdelay $0x3  }
0x93: {  	_ =	strace s4  }
0x94: {  	s4 =	sld [smem:$0x3FFC];
	_ =	sdelay $0x3  }
0x95: {  	_ =	strace s4  }
0x96: {  	s4 =	sld [smem:$0x3FFD];
	_ =	sdelay $0x3  }
0x97: {  	_ =	strace s4  }
0x98: {  	_ =	strace $0x8FFFFFFF  }
0x99: {  	s19 =	sld [smem:$0x3FDB];
	_ =	sdelay $0x1  }
0x9a: {  	s5 =	simm.s32 $_scs_section_size  }
0x9b: {  	s6 =	simm.s32 $_size__tile_overlayer_lowered;
	s7 =	simm.s32 $_tile_overlayer_lowered  }
0x9c: {  	s22 =	simm.s32 $0x1BFF;
	s21 =	sshll.u32 s7, $0x1;
	s4 =	sadd.s32 s5, s19  }
0x9d: {  	s8 =	simm.s32 $0x0;
	s20 =	sshll.u32 s6, $0x1;
	s6 =	sadd.s32 s21, s4  }
0x9e: {  	[timem:s8], [sflag:s22] =	dma.local [hbm:s6], s20  }
0x9f: {  	_ =	swait.ge [sflag:s22], s20  }
0xa0: {  	s5 =	ssub.s32 $0x0, s20;
	[sflag:s22] =	ssyncset.done $0x0  }
0xa1: {  	[sflag:s22] =	ssyncadd.s32 s5;
	_ =	sdelay $0x1  }
0xa2: {  	s23 =	simm.s32 $0x1B8B  }
0xa3: {  	_ =	swait.ge [sflag:s23], $0x1  }
0xa4: {  	[sflag:s23] =	ssyncset.done $0x0  }
0xa5: {  	s25 =	simm.s32 $0x1B8E;
	s24 =	sld [smem:$0x3FFE];
	[sflag:s23] =	ssyncadd.s32 $0xFFFFFFFF  }
0xa6: {  	s26 =	simm.s32 $execute0_lowered;
	[smem:$0x3FD2] =	sst s25  }
0xa7: {  	s6 =	sshll.u32 s26, $0x1;
	_ =	strace $0x80000046;
	[dreg:$0x1] =	wrdreg $0xFFFFFFFF  }
0xa8: {  	s28 =	simm.s32 $_size_execute0_lowered;
	s4 =	sadd.s32 s4, s6;
	[dreg:$0x0] =	wrdreg $0x0  }
0xa9: {  	s6 =	sshll.u32 s28, $0x1;
	[dreg:$0x2] =	wrdreg s4  }
0xaa: {  	[dreg:$0x3] =	wrdreg s6  }
0xab: {  	[dreg:$0x4] =	wrdreg $0xC0  }
0xac: {  	_ =	task [dreg:s8], $0x5FFFF  }
0xad: {  	[dreg:$0x1] =	wrdreg $0xFFFFFFFF  }
0xae: {  	[dreg:$0x0] =	wrdreg $0x60  }
0xaf: {  	[dreg:$0x2] =	wrdreg s24  }
0xb0: {  	[dreg:$0x3] =	wrdreg s2  }
0xb1: {  	[dreg:$0x4] =	wrdreg s18  }
0xb2: {  	[dreg:$0x5] =	wrdreg $0x0  }
0xb3: {  	[dreg:$0x6] =	wrdreg $0x9  }
0xb4: {  	_ =	task.clear_ibuf [dreg:s8], $0x7FFFF;
	_ =	strace $0x90000046  }
0xb5: {  	s29 =	simm.s32 $0x9;
	_ =	strace $0x80000048  }
0xb6: {  	_ =	swait.ge [sflag:s29], $0x1  }
0xb7: {  	[sflag:s29] =	ssyncadd.s32 $0xFFFFFFFF  }
0xb8: {  	_ =	strace $0x90000048  }
0xb9: {  	_ =	sfence  }
0xba: {  	s30 =	sld [smem:$0x0];
	_ =	sdelay $0x2  }
0xbb: {  	s31 =	sshll.u32 s1, $0xD;
	s1 =	sshrl.u32 s1, $0x2  }
0xbc: {  	s3 =	sand.u32 $0x4000, s31;
	s1 =	sadd.s32 s1, s30  }
0xbd: {  	s0 =	sor.u32 s3, s0;
	s1 =	sshll.u32 s1, $0x11  }
0xbe: {  	s0 =	sor.u32 s1, s0  }
0xbf: {  	s0 =	sadd.s32 $0x8F2B, s0  }
0xc0: {  	[sflag:s0] =	ssyncadd.remote.s32 $0x1  }
0xc1: {  	_ =	sfence.sel $0xFFFF  }
0xc2: {  	[dreg:$0x0] =	wrdreg $0xFFFFFFFF;
	(pc) =	sbr.abs _section_cstart, $3  }
0xc3: {  	[dreg:$0x1] =	wrdreg $0xFFFFFFFF  }
0xc4: {  	_ =	task.clear_ibuf [dreg:s8], $0x2FFFF;
	_ =	strace $0x9FFFFFFF  }
0xc5: {  	(tm) =	ssettm $0x7FFFFFFF  }
tec
execute0_lowered:
.L_overlay_start_1:
0x0: {  	(tag) =	ssettag $0x1  }
0x1: {  	s5 =	rddreg [dreg:$0x0]  }
0x2: {  	s0 =	rddreg [dreg:$0x1]  }
0x3: {  	s11 =	rddreg [dreg:$0x2];
	s1 =	srdreg.scid  }
0x4: {  	s3 =	rddreg [dreg:$0x3];
	s2 =	stileid.u32  }
0x5: {  	s4 =	simm.s32 $0x0;
	s17 =	simm.s32 $0x14000;
	s8 =	smul.u32 $0x2800, s2  }
0x6: {  	s18 =	simm.s32 $0x14080;
	s19 =	simm.s32 $0x80;
	s10 =	smul.u32 $0x50000, s2  }
0x7: {  	s20 =	simm.s32 $0x1;
	s6 =	sand.u32 $0x1, s1;
	s15 =	smul.u32 $0x4F0, s2  }
0x8: {  	s21 =	simm.s32 $0x18100;
	s1 =	rddreg [dreg:$0x4];
	s7 =	smul.u32 $0x4F00, s6  }
0x9: {  	s22 =	simm.s32 $0x0;
	[smem:$0x7FF] =	sst s4;
	s9 =	smul.u32 $0x28000, s6  }
0xa: {  	_ =	strace $0x80000047;
	s28 =	ssub.s32 $0x2, s6;
	s6 =	sshll.u32 s6, $0x4  }
0xb: {  	s29 =	sshrl.u32 s28, $0x1;
	s30 =	sshrl.u32 s10, $0x2;
	s31 =	sor.u32 s2, s6  }
0xc: {  	s12 =	sadd.s32 s7, s5;
	s26 =	sadd.s32 s8, s9;
	s14 =	ssub.s32 s28, s29  }
0xd: {  	s16 =	smul.u32 $0x500, s31;
	s13 =	sadd.s32 s26, s5;
	s5 =	sadd.s32 s30, s3  }
0xe: {  	s15 =	sadd.s32 s15, s12;
	s12 =	smax.u32 s14, $0x1;
	s6 =	sadd.s32 $0x4000, s5  }
0xf: {  	s7 =	sadd.s32 $0x8000, s5;
	s8 =	sadd.s32 $0xC000, s5;
	s9 =	sadd.s32 $0x10000, s5  }
0x10: {  	s10 =	sadd.s32 $0x14E00, s13;
	s11 =	sadd.s32 s11, s16;
	s13 =	sadd.s32 $0x1200, s15  }
0x11: {  	v0 =	vimm.f32 $0.0e+00;
	v1 =	vimm.f32 $1.000000000e+00;
	s14 =	sadd.s32 $0xB000, s15;
	s15 =	simm.s32 $0x14100;
	s16 =	simm.s32 $0x2  }
.LBB2_1:
0x12: {  	s23 =	sand.u32 $0xFE00, s4  }
0x13: {  	s24 =	sand.u32 $0x70, s4;
	s25 =	sshrl.u32 s23, $0x2  }
0x14: {  	s23 =	simm.s32 $0x40;
	s25 =	sor.u32 s24, s25;
	s24 =	simm.s32 $0x0  }
.LBB2_2:
0x15: {  	p0 =	sne.s32 s23, $0xFFC0  }
0x16: {  	[tilespmem:s25+$0x14100] =	vst v0;
	s24 =	sadd.s32 $0x10, s24;
	s25 =	smov.u32 s23;
	s23 =	sadd.s32 $0x40, s23  }
.Ltmp0:
0x17: {  	(pc) =	sbr.rel @p0 .LBB2_2-.Ltmp0, $4  }
0x18: {  	_ = 	snop  }
0x19: {  	s25 =	sand.u32 $0xFE00, s25  }
0x1a: {  	s26 =	sand.u32 $0x70, s24;
	s25 =	sshrl.u32 s25, $0x2  }
0x1b: {  	s25 =	sor.u32 s26, s25  }
0x1c: {  	[tilespmem:s25+$0x14100] =	vst v0  }
0x1d: {  	[spmem:s5] =	stream.linear.scatter [tilespmem:s15], [sflag:$0x2], $0x4000, $0x38;
	[tilespmem:$0x1A900] =	vst v63  }
0x1e: {  	_ =	swait.ge [sflag:s16], $0x4000  }
0x1f: {  	[sflag:s16] =	ssyncset.done $0x0  }
0x20: {  	[sflag:s16] =	ssyncadd.s32 $0xFFFFC000  }
0x21: {  	[spmem:s6] =	stream.linear.scatter [tilespmem:s15], [sflag:$0x2], $0x4000, $0x38;
	[tilespmem:$0x1A900] =	vst v63  }
0x22: {  	_ =	swait.ge [sflag:s16], $0x4000  }
0x23: {  	[sflag:s16] =	ssyncset.done $0x0  }
0x24: {  	[sflag:s16] =	ssyncadd.s32 $0xFFFFC000  }
0x25: {  	[spmem:s7] =	stream.linear.scatter [tilespmem:s15], [sflag:$0x2], $0x4000, $0x38;
	[tilespmem:$0x1A900] =	vst v63  }
0x26: {  	_ =	swait.ge [sflag:s16], $0x4000  }
0x27: {  	[sflag:s16] =	ssyncset.done $0x0  }
0x28: {  	[sflag:s16] =	ssyncadd.s32 $0xFFFFC000  }
0x29: {  	[spmem:s8] =	stream.linear.scatter [tilespmem:s15], [sflag:$0x2], $0x4000, $0x38;
	[tilespmem:$0x1A900] =	vst v63  }
0x2a: {  	_ =	swait.ge [sflag:s16], $0x4000  }
0x2b: {  	[sflag:s16] =	ssyncset.done $0x0  }
0x2c: {  	[sflag:s16] =	ssyncadd.s32 $0xFFFFC000  }
0x2d: {  	[spmem:s9] =	stream.linear.scatter [tilespmem:s15], [sflag:$0x2], $0x4000, $0x38;
	[tilespmem:$0x1A900] =	vst v63  }
0x2e: {  	_ =	swait.ge [sflag:s16], $0x4000  }
0x2f: {  	[sflag:s16] =	ssyncset.done $0x0  }
0x30: {  	s23 =	simm.s32 $0x40;
	s24 =	simm.s32 $0x0;
	[sflag:s16] =	ssyncadd.s32 $0xFFFFC000  }
.LBB2_4:
0x31: {  	p0 =	sne.s32 s23, $0x9FC0;
	[tilespmem:s24+$0x18100] =	vst v0;
	s24 =	smov.u32 s23;
	s23 =	sadd.s32 $0x40, s23  }
.Ltmp1:
0x32: {  	(pc) =	sbr.rel @p0 .LBB2_4-.Ltmp1, $2  }
0x33: {  	_ =	sdelay $0x2  }
0x34: {  	s24 =	sshra.s32 s24, $0x2  }
0x35: {  	[tilespmem:s24+$0x18100] =	vst v0  }
0x36: {  	s23 =	simm.s32 $0x0;
	[bflag:$0x0] =	sbarrier.arrive $0xFFFF  }
.LBB2_6:
0x37: {  	s24 =	sadd.s32 s23, s14  }
0x38: {  	[tilespmem:s17], [sflag:$0x2] =	stream.linear.gather [hbm4b:s24+s4], $0x80, $0x38;
	[tilespmem:$0x1A900] =	vst v63  }
0x39: {  	_ =	swait.ge [sflag:s16], $0x80  }
0x3a: {  	[sflag:s16] =	ssyncset.done $0x0  }
0x3b: {  	s31 =	sadd.s32 s23, s13;
	[sflag:s16] =	ssyncadd.s32 $0xFFFFFF80  }
0x3c: {  	[tilespmem:s18], [sflag:$0x2] =	stream.linear.gather [hbm4b:s31+s4], $0x80, $0x38;
	[tilespmem:$0x1A900] =	vst v63  }
0x3d: {  	_ =	swait.ge [sflag:s16], $0x80  }
0x3e: {  	[sflag:s16] =	ssyncset.done $0x0  }
0x3f: {  	[sflag:s16] =	ssyncadd.s32 $0xFFFFFF80  }
0x40: {  	[tilespmem:s15], [sflag:$0x1] =	stream.indirect.gather [hbm4b:s0+s19], $0x80, s17, s19, $0xb8;
	[tilespmem:$0x1A900] =	vst v63  }
0x41: {  	_ =	swait.ge [sflag:s20], $0x4000  }
0x42: {  	[sflag:s20] =	ssyncset.done $0x0  }
0x43: {  	[sflag:s20] =	ssyncadd.s32 $0xFFFFC000  }
0x44: {  	[spmem:s3] =	stream.indirect.scatter.add.f32 [tilespmem:s15], [sflag:$0x2], $0x80, s18, s19, $0xb8;
	[tilespmem:$0x1A900] =	vst v63  }
0x45: {  	_ =	swait.ge [sflag:s16], $0x4000  }
0x46: {  	[sflag:s16] =	ssyncset.done $0x0  }
0x47: {  	[sflag:s16] =	ssyncadd.s32 $0xFFFFC000  }
0x48: {  	v2 =	vld [tilespmem:$0x14080];
	_ =	sdelay $0x7  }
0x49: {  	[tilespmem:v2+s21+$0x0] =	vst.idx.add.f32.msk $0xffff, v1  }
0x4a: {  	v2 =	vld [tilespmem:$0x14090];
	_ =	sdelay $0x7  }
0x4b: {  	[tilespmem:v2+s21+$0x0] =	vst.idx.add.f32.msk $0xffff, v1  }
0x4c: {  	v2 =	vld [tilespmem:$0x140A0];
	_ =	sdelay $0x7  }
0x4d: {  	[tilespmem:v2+s21+$0x0] =	vst.idx.add.f32.msk $0xffff, v1  }
0x4e: {  	v2 =	vld [tilespmem:$0x140B0];
	_ =	sdelay $0x7  }
0x4f: {  	[tilespmem:v2+s21+$0x0] =	vst.idx.add.f32.msk $0xffff, v1  }
0x50: {  	v2 =	vld [tilespmem:$0x140C0];
	_ =	sdelay $0x7  }
0x51: {  	[tilespmem:v2+s21+$0x0] =	vst.idx.add.f32.msk $0xffff, v1  }
0x52: {  	v2 =	vld [tilespmem:$0x140D0];
	_ =	sdelay $0x7  }
0x53: {  	[tilespmem:v2+s21+$0x0] =	vst.idx.add.f32.msk $0xffff, v1  }
0x54: {  	v2 =	vld [tilespmem:$0x140E0];
	_ =	sdelay $0x7  }
0x55: {  	[tilespmem:v2+s21+$0x0] =	vst.idx.add.f32.msk $0xffff, v1  }
0x56: {  	v2 =	vld [tilespmem:$0x140F0];
	_ =	sdelay $0x2  }
0x57: {  	p0 =	sne.s32 s23, $0x4E0  }
.Ltmp2:
0x58: {  	_ = 	snop;
	(pc) =	sbr.rel @p0 .LBB2_6-.Ltmp2, $2  }
0x59: {  	_ =	sdelay $0x2  }
0x5a: {  	s23 =	sadd.s32 $0x10, s23;
	[tilespmem:v2+s21+$0x0] =	vst.idx.add.f32.msk $0xffff, v1  }
0x5b: {  	s23 =	sshll.u32 s2, $0x6  }
0x5c: {  	[bflag:$0x0] =	sbarrier.arrive $0xFFFF;
	s24 =	sshrl.u32 s5, $0x3;
	s23 =	sor.u32 $0x1C02, s23  }
0x5d: {  	[hbm:s10], [sflag:s23] =	dma.local [spmem:s24], $0x2800  }
0x5e: {  	s22 =	sadd.s32 $0x1, s22;
	_ =	swait.ge [sflag:s16], $0x2800  }
0x5f: {  	p0 =	sne.s32 s22, s12;
	[sflag:s16] =	ssyncset.done $0x0  }
.Ltmp3:
0x60: {  	[sflag:s16] =	ssyncadd.s32 $0xFFFFD800;
	(pc) =	sbr.rel @p0 .LBB2_1-.Ltmp3, $4  }
0x61: {  	[hbm4b:s11+s4] =	stream.linear.scatter [tilespmem:s21], [sflag:$0x2], $0x2800, $0x38;
	[tilespmem:$0x1A900] =	vst v63  }
0x62: {  	_ =	swait.ge [sflag:s16], $0x2800  }
0x63: {  	[sflag:s16] =	ssyncset.done $0x0  }
0x64: {  	[sflag:s16] =	ssyncadd.s32 $0xFFFFD800  }
0x65: {  	_ =	sfence.sel $0x180000  }
0x66: {  	[bflag:$0x0] =	sbarrier.arrive $0xFFFF  }
0x67: {  	p0 =	sne.s32 s2, $0x0;
	_ =	strace $0x90000047  }
0x68: {  	s0 =	sadd.s32 @!p0 $0x100000, s1;
	[bflag:$0x2] =	sbarrier.arrive $0xFFFF  }
0x69: {  	[sflag:s0] =	ssyncadd.tile.s32 @!p0 $0x1;
	_ =	shalt  }
.Lfunc_end2:
_tile_overlayer_lowered:
.L_overlay_start_2:
0x6a: {  	(tag) =	ssettag $0x2  }
0x6b: {  	s0 =	rddreg [dreg:$0x0];
	s2 =	stileid.u32  }
0x6c: {  	s1 =	rddreg [dreg:$0x1];
	p0 =	sne.s32 s2, $0x0  }
0x6d: {  	s3 =	rddreg [dreg:$0x2];
	[bflag:$0x3] =	sbarrier.arrive $0xFFFF;
	s2 =	simm.s32 @!p0 $0x1C02  }
0x6e: {  	[timem:s3], [sflag:s2] =	dma.local @!p0 [hbm:s0], s1  }
0x6f: {  	s0 =	simm.s32 @!p0 $0x2  }
0x70: {  	_ =	swait.ge @!p0 [sflag:s0], s1  }
0x71: {  	s1 =	ssub.s32 @!p0 $0x0, s1;
	[sflag:s0] =	ssyncset.done @!p0 $0x0  }
0x72: {  	[sflag:s0] =	ssyncadd.s32 @!p0 s1  }
0x73: {  	[bflag:$0x3] =	sbarrier.arrive $0xFFFF  }
0x74: {  	_ =	shalt  }

</sc_bundles>
